<compile_context>
chip_gen: v7x
topology: tpu7x:2x2x1
jax: 0.10.2.dev20260603
libtpu: 0.0.44.dev20260713+nightly
codegen_flags: <defaults>
</compile_context>

<pallas_src>
import functools

import jax
import jax.numpy as jnp
from jax import lax
from jax.experimental import pallas as pl
from jax.experimental.pallas import tpu as pltpu
from jax.experimental.pallas import tpu_sc as plsc

_NUM_EMB = 8192
_EMB_DIM = 64
_K_CHUNK = 1024


def _conv2d(x, w, b, stride):
    y = lax.conv_general_dilated(
        x.astype(jnp.bfloat16),
        w.transpose(2, 3, 1, 0).astype(jnp.bfloat16), (stride, stride),
        ((1, 1), (1, 1)), dimension_numbers=('NHWC', 'HWIO', 'NHWC'),
        preferred_element_type=jnp.float32)
    return y + b[None, None, None, :]


def _conv2d_t(x, w, b):
    wt = jnp.flip(w, axis=(2, 3)).transpose(2, 3, 0, 1)
    y = lax.conv_general_dilated(
        x.astype(jnp.bfloat16), wt.astype(jnp.bfloat16), (1, 1),
        ((2, 2), (2, 2)), lhs_dilation=(2, 2),
        dimension_numbers=('NHWC', 'HWIO', 'NHWC'),
        preferred_element_type=jnp.float32)
    return y + b[None, None, None, :]


def _vq_body(z_ref, cb_ref, idx_ref, loss_ref):
    i = pl.program_id(0)
    bm = z_ref.shape[0]
    z = z_ref[...]
    zs = jnp.sum(z * z, axis=1, keepdims=True)
    z_bf = z.astype(jnp.bfloat16)
    ids = lax.broadcasted_iota(jnp.int32, (bm, _K_CHUNK), 1)

    best_val = jnp.full((bm, 1), jnp.inf, jnp.float32)
    best_idx = jnp.zeros((bm, 1), jnp.int32)
    for j in range(_NUM_EMB // _K_CHUNK):
        c = cb_ref[pl.ds(j * _K_CHUNK, _K_CHUNK), :]
        cs = jnp.sum(c * c, axis=1, keepdims=True)
        scores = cs.T - 2.0 * lax.dot_general(
            z_bf, c.astype(jnp.bfloat16), (((1,), (1,)), ((), ())),
            preferred_element_type=jnp.float32)
        local_min = jnp.min(scores, axis=1, keepdims=True)
        cand = jnp.where(scores == local_min, ids, jnp.int32(2**30))
        local_arg = jnp.min(cand, axis=1, keepdims=True) + j * _K_CHUNK
        upd = local_min < best_val
        best_val = jnp.where(upd, local_min, best_val)
        best_idx = jnp.where(upd, local_arg, best_idx)

    idx_ref[0, 0, :] = best_idx[:, 0]
    total = jnp.sum(best_val + zs).reshape(1, 1)
    prev = jnp.where(i == 0, jnp.zeros((1, 1), jnp.float32), loss_ref[...])
    loss_ref[...] = prev + total


def _vq_argmin(z_flat, codebook):
    m = z_flat.shape[0]
    n_blocks = 8
    bm = m // n_blocks
    idx3, loss = pl.pallas_call(
        _vq_body,
        grid=(n_blocks,),
        in_specs=[
            pl.BlockSpec((bm, _EMB_DIM), lambda i: (i, 0)),
            pl.BlockSpec((_NUM_EMB, _EMB_DIM), lambda i: (0, 0)),
        ],
        out_specs=[
            pl.BlockSpec((1, 1, bm), lambda i: (i, 0, 0)),
            pl.BlockSpec((1, 1), lambda i: (0, 0)),
        ],
        out_shape=[
            jax.ShapeDtypeStruct((n_blocks, 1, bm), jnp.int32),
            jax.ShapeDtypeStruct((1, 1), jnp.float32),
        ],
    )(z_flat, codebook)
    return idx3.reshape(m), loss[0, 0]


def _sc_gather(codebook, idx_padded, n_padded):
    n_workers = 32
    rows_per_w = n_padded // n_workers
    mesh = plsc.VectorSubcoreMesh(core_axis_name="c", subcore_axis_name="s")

    @functools.partial(
        pl.kernel,
        out_type=jax.ShapeDtypeStruct((n_padded, _EMB_DIM), jnp.float32),
        mesh=mesh,
        scratch_types=[
            pltpu.VMEM((rows_per_w,), jnp.int32),
            pltpu.VMEM((rows_per_w, _EMB_DIM), jnp.float32),
            pltpu.SemaphoreType.DMA,
        ],
        compiler_params=pltpu.CompilerParams(use_tc_tiling_on_sc=False),
    )
    def gather_kernel(table_hbm, idx_hbm, out_hbm, idx_v, rows_v, sem):
        wid = lax.axis_index("s") * 2 + lax.axis_index("c")
        base = wid * rows_per_w
        pltpu.sync_copy(idx_hbm.at[pl.ds(base, rows_per_w)], idx_v)
        pltpu.async_copy(table_hbm.at[idx_v], rows_v, sem).wait()
        pltpu.sync_copy(rows_v, out_hbm.at[pl.ds(base, rows_per_w)])

    return gather_kernel(codebook, idx_padded)


def kernel(x, enc_w1, enc_b1, enc_w2, enc_b2, enc_w3, enc_b3, codebook,
           dec_w1, dec_b1, dec_w2, dec_b2, dec_w3, dec_b3):
    z = jax.nn.relu(_conv2d(x.transpose(0, 2, 3, 1), enc_w1, enc_b1, 2))
    z = jax.nn.relu(_conv2d(z, enc_w2, enc_b2, 2))
    z_e = _conv2d(z, enc_w3, enc_b3, 2)
    B, H, W, C = z_e.shape
    m = B * H * W
    z_flat = z_e.reshape(m, C)

    indices, loss_sum = _vq_argmin(z_flat, codebook)

    n_padded = ((m + 255) // 256) * 256
    idx_padded = jnp.concatenate(
        [indices, jnp.zeros((n_padded - m,), jnp.int32)])
    z_q_flat = _sc_gather(codebook, idx_padded, n_padded)[:m]

    z_q = z_q_flat.reshape(B, H, W, C)

    r = jax.nn.relu(_conv2d_t(z_q, dec_w1, dec_b1))
    r = jax.nn.relu(_conv2d_t(r, dec_w2, dec_b2))
    x_recon = jax.nn.sigmoid(_conv2d_t(r, dec_w3, dec_b3))
    x_recon = x_recon.transpose(0, 3, 1, 2)

    loss = 1.25 * loss_sum / jnp.float32(m * C)
    return (x_recon, loss)

# --- scband reference (transcript-rebuilt; emitter-appended) ---
"""Pipeline reference for scband-vqvae-6081673691352 (READ-ONLY COPY).

The authoritative reference and input builder live on the scoring server;
editing this copy changes nothing except your own understanding.
"""

import jax, jax.numpy as jnp
import numpy as np

NUM_EMB = 8192
EMB_DIM = 64


def _conv(x, w, b, stride):
    y = jax.lax.conv_general_dilated(
        x, w, (stride, stride), ((1, 1), (1, 1)),
        dimension_numbers=('NCHW', 'OIHW', 'NCHW'))
    return y + b[None, :, None, None]


def _conv_t(x, w, b):
    # w has PyTorch ConvTranspose2d layout (in, out, kH, kW), k=4, stride=2, padding=1
    wt = jnp.flip(w, axis=(2, 3)).transpose(1, 0, 2, 3)  # (out, in, kH, kW)
    y = jax.lax.conv_general_dilated(
        x, wt, (1, 1), ((2, 2), (2, 2)), lhs_dilation=(2, 2),
        dimension_numbers=('NCHW', 'OIHW', 'NCHW'))
    return y + b[None, :, None, None]


def setup_inputs(seed: int = 0) -> dict:
    key = jax.random.key(seed)
    ks = jax.random.split(key, 16)
    x = jax.random.normal(ks[0], (8, 3, 224, 224), dtype=jnp.float32)
    s = 0.05
    enc_w1 = jax.random.normal(ks[1], (128, 3, 4, 4), dtype=jnp.float32) * s
    enc_b1 = jnp.zeros((128,), dtype=jnp.float32)
    enc_w2 = jax.random.normal(ks[2], (128, 128, 4, 4), dtype=jnp.float32) * s
    enc_b2 = jnp.zeros((128,), dtype=jnp.float32)
    enc_w3 = jax.random.normal(ks[3], (EMB_DIM, 128, 4, 4), dtype=jnp.float32) * s
    enc_b3 = jnp.zeros((EMB_DIM,), dtype=jnp.float32)
    codebook = jax.random.uniform(ks[4], (NUM_EMB, EMB_DIM), dtype=jnp.float32,
                                  minval=-1.0 / NUM_EMB, maxval=1.0 / NUM_EMB)
    dec_w1 = jax.random.normal(ks[5], (EMB_DIM, 128, 4, 4), dtype=jnp.float32) * s
    dec_b1 = jnp.zeros((128,), dtype=jnp.float32)
    dec_w2 = jax.random.normal(ks[6], (128, 128, 4, 4), dtype=jnp.float32) * s
    dec_b2 = jnp.zeros((128,), dtype=jnp.float32)
    dec_w3 = jax.random.normal(ks[7], (128, 1, 4, 4), dtype=jnp.float32) * s
    dec_b3 = jnp.zeros((1,), dtype=jnp.float32)
    return {
        'x': x,
        'enc_w1': enc_w1, 'enc_b1': enc_b1,
        'enc_w2': enc_w2, 'enc_b2': enc_b2,
        'enc_w3': enc_w3, 'enc_b3': enc_b3,
        'codebook': codebook,
        'dec_w1': dec_w1, 'dec_b1': dec_b1,
        'dec_w2': dec_w2, 'dec_b2': dec_b2,
        'dec_w3': dec_w3, 'dec_b3': dec_b3,
    }


def reference(x, enc_w1, enc_b1, enc_w2, enc_b2, enc_w3, enc_b3, codebook,
              dec_w1, dec_b1, dec_w2, dec_b2, dec_w3, dec_b3):
    # encode
    z = jax.nn.relu(_conv(x, enc_w1, enc_b1, 2))
    z = jax.nn.relu(_conv(z, enc_w2, enc_b2, 2))
    z_e = _conv(z, enc_w3, enc_b3, 2)  # (B, D, 28, 28)
    B, C, H, W = z_e.shape
    z_flat = z_e.reshape(B, C, H * W).transpose(0, 2, 1)  # (B, HW, D)
    distances = (z_flat ** 2).sum(axis=2, keepdims=True) \
        + (codebook ** 2).sum(axis=1) \
        - 2.0 * (z_flat @ codebook.T)  # (B, HW, K)
    encoding_indices = jnp.argmin(distances, axis=2)  # (B, HW)
    z_q = jnp.take(codebook, encoding_indices, axis=0)  # (B, HW, D)
    z_q = z_q.transpose(0, 2, 1).reshape(B, C, H, W)
    # decode
    r = jax.nn.relu(_conv_t(z_q, dec_w1, dec_b1))
    r = jax.nn.relu(_conv_t(r, dec_w2, dec_b2))
    x_recon = jax.nn.sigmoid(_conv_t(r, dec_w3, dec_b3))
    commitment_loss = 0.25 * jnp.mean((jax.lax.stop_gradient(z_e) - z_q) ** 2)
    quantization_loss = jnp.mean((z_e - jax.lax.stop_gradient(z_q)) ** 2)
    loss = commitment_loss + quantization_loss
    return (x_recon, loss)

if __name__ == "__main__":
    import jax
    _d = setup_inputs()
    print(jax.jit(kernel)(*tuple(_d.values())))

</pallas_src>

<mosaic_0001>
#map = affine_map<(d0, d1) -> (0, 0)>
#map1 = affine_map<(d0, d1) -> (0)>
module attributes {stable_mosaic.version = 14 : i64} {
  func.func @gather_kernel(%arg0: i32, %arg1: i32, %arg2: memref<8192x64xf32, #tpu.memory_space<hbm>>, %arg3: memref<6400xi32, #tpu.memory_space<hbm>>, %arg4: memref<6400x64xf32, #tpu.memory_space<hbm>>, %arg5: memref<200xi32, #tpu.memory_space<vmem>>, %arg6: memref<200x64xf32, #tpu.memory_space<vmem>>, %arg7: memref<!tpu.dma_semaphore, #tpu.memory_space<semaphore_mem>>) attributes {dimension_semantics = [#tpu.dimension_semantics<core_parallel>, #tpu.dimension_semantics<subcore_parallel>], iteration_bounds = array<i64: 2, 16>, scalar_prefetch = 0 : i64, scratch_operands = 3 : i64, tpu.core_type = #tpu.core_type<sc_vector_subcore>, window_params = [{transform_indices = #map}, {transform_indices = #map1}, {transform_indices = #map}]} {
    %mul3A = arith.constant 2 : i32
    %mul3A_0 = arith.muli %arg1, %mul3A : i32
    %add3A = arith.addi %mul3A_0, %arg0 : i32
    %mul3A_1 = arith.constant 200 : i32
    %mul3A_2 = arith.muli %add3A, %mul3A_1 : i32
    "tpu.region"() ({
      %run_scoped3A = tpu.sem_alloc : memref<!tpu.dma_semaphore, #tpu.memory_space<semaphore_mem>>
      %dma_start3A_7 = tpu.memref_slice %arg3[%mul3A_2] : memref<6400xi32, #tpu.memory_space<hbm>> -> memref<200xi32, #tpu.memory_space<hbm>>
      %dma_start3A_8 = tpu.memref_slice %arg3[%mul3A_2] : memref<6400xi32, #tpu.memory_space<hbm>> -> memref<200xi32, #tpu.memory_space<hbm>>
      tpu.enqueue_dma source(%dma_start3A_8 : memref<200xi32, #tpu.memory_space<hbm>>) target(%arg5 : memref<200xi32, #tpu.memory_space<vmem>>) target_semaphore(%run_scoped3A : memref<!tpu.dma_semaphore, #tpu.memory_space<semaphore_mem>>)
      %dma_wait3A_9 = tpu.memref_slice %arg3[%mul3A_2] : memref<6400xi32, #tpu.memory_space<hbm>> -> memref<200xi32, #tpu.memory_space<hbm>>
      %dma_wait3A_10 = tpu.memref_slice %arg3[%mul3A_2] : memref<6400xi32, #tpu.memory_space<hbm>> -> memref<200xi32, #tpu.memory_space<hbm>>
      tpu.wait_dma2 semaphore(%run_scoped3A : memref<!tpu.dma_semaphore, #tpu.memory_space<semaphore_mem>>) src(%dma_wait3A_10 : memref<200xi32, #tpu.memory_space<hbm>>) dst(%arg5 : memref<200xi32, #tpu.memory_space<vmem>>)
      tpu.yield
    }) : () -> ()
    %dma_start3A = arith.constant 0 : i32
    %dma_start3A_3 = arith.constant 0 : i32
    %dma_start3A_4 = tpu.memref_slice %arg2[%dma_start3A, %dma_start3A_3] : memref<8192x64xf32, #tpu.memory_space<hbm>> -> memref<8192x64xf32, #tpu.memory_space<hbm>>
    tpu.enqueue_indirect_dma source(%dma_start3A_4 : memref<8192x64xf32, #tpu.memory_space<hbm>>) target(%arg6 : memref<200x64xf32, #tpu.memory_space<vmem>>) offsets(%arg5 : memref<200xi32, #tpu.memory_space<vmem>>) semaphore(%arg7 : memref<!tpu.dma_semaphore, #tpu.memory_space<semaphore_mem>>)
    %dma_wait3A = arith.constant 0 : i32
    %dma_wait3A_5 = arith.constant 0 : i32
    %dma_wait3A_6 = tpu.memref_slice %arg2[%dma_wait3A, %dma_wait3A_5] : memref<8192x64xf32, #tpu.memory_space<hbm>> -> memref<8192x64xf32, #tpu.memory_space<hbm>>
    tpu.wait_indirect_dma semaphore(%arg7 : memref<!tpu.dma_semaphore, #tpu.memory_space<semaphore_mem>>) src(%dma_wait3A_6 : memref<8192x64xf32, #tpu.memory_space<hbm>>) dst(%arg6 : memref<200x64xf32, #tpu.memory_space<vmem>>)
    "tpu.region"() ({
      %run_scoped3A = tpu.sem_alloc : memref<!tpu.dma_semaphore, #tpu.memory_space<semaphore_mem>>
      %dma_start3A_7 = arith.constant 0 : i32
      %dma_start3A_8 = tpu.memref_slice %arg4[%mul3A_2, %dma_start3A_7] : memref<6400x64xf32, #tpu.memory_space<hbm>> -> memref<200x64xf32, #tpu.memory_space<hbm>>
      %dma_start3A_9 = arith.constant 0 : i32
      %dma_start3A_10 = tpu.memref_slice %arg4[%mul3A_2, %dma_start3A_9] : memref<6400x64xf32, #tpu.memory_space<hbm>> -> memref<200x64xf32, #tpu.memory_space<hbm>>
      tpu.enqueue_dma source(%arg6 : memref<200x64xf32, #tpu.memory_space<vmem>>) target(%dma_start3A_10 : memref<200x64xf32, #tpu.memory_space<hbm>>) target_semaphore(%run_scoped3A : memref<!tpu.dma_semaphore, #tpu.memory_space<semaphore_mem>>)
      %dma_wait3A_11 = arith.constant 0 : i32
      %dma_wait3A_12 = tpu.memref_slice %arg4[%mul3A_2, %dma_wait3A_11] : memref<6400x64xf32, #tpu.memory_space<hbm>> -> memref<200x64xf32, #tpu.memory_space<hbm>>
      %dma_wait3A_13 = arith.constant 0 : i32
      %dma_wait3A_14 = tpu.memref_slice %arg4[%mul3A_2, %dma_wait3A_13] : memref<6400x64xf32, #tpu.memory_space<hbm>> -> memref<200x64xf32, #tpu.memory_space<hbm>>
      tpu.wait_dma2 semaphore(%run_scoped3A : memref<!tpu.dma_semaphore, #tpu.memory_space<semaphore_mem>>) src(%arg6 : memref<200x64xf32, #tpu.memory_space<vmem>>) dst(%dma_wait3A_14 : memref<200x64xf32, #tpu.memory_space<hbm>>)
      tpu.yield
    }) : () -> ()
    return
  }
}

module attributes {stable_mosaic.version = 14 : i64} {
  func.func @_vq_body(%arg0: i32, %arg1: memref<784x64xf32, #tpu.memory_space<vmem>>, %arg2: memref<8192x64xf32, #tpu.memory_space<vmem>>, %arg3: memref<1x1x784xi32, #tpu.memory_space<vmem>>, %arg4: memref<1x1xf32, #tpu.memory_space<vmem>>) attributes {dimension_semantics = [#tpu.dimension_semantics<arbitrary>], iteration_bounds = array<i64: 8>, scalar_prefetch = 0 : i64, scratch_operands = 0 : i64, tpu.core_type = #tpu.core_type<tc>, window_params = [{transform_indices = @transform_0, window_bounds = array<i64: 784, 64>}, {pipeline_mode = #tpu.pipeline_mode<synchronous>, transform_indices = @transform_1, window_bounds = array<i64: 8192, 64>}, {transform_indices = @transform_2, window_bounds = array<i64: 1, 1, 784>}, {pipeline_mode = #tpu.pipeline_mode<synchronous>, transform_indices = @transform_3, window_bounds = array<i64: 1, 1>}]} {
    %get3A = arith.constant 0 : index
    %get3A_0 = arith.constant 0 : index
    %get3A_1 = vector.load %arg1[%get3A, %get3A_0] : memref<784x64xf32, #tpu.memory_space<vmem>>, vector<784x64xf32>
    %mul3A = arith.mulf %get3A_1, %get3A_1 : vector<784x64xf32>
    %reduce_sum3A = arith.constant dense<0.000000e+00> : vector<784xf32>
    %reduce_sum3A_2 = vector.multi_reduction <add>, %mul3A, %reduce_sum3A [1] : vector<784x64xf32> to vector<784xf32>
    %broadcast_in_dim3A = vector.shape_cast %reduce_sum3A_2 : vector<784xf32> to vector<784x1xf32>
    %convert_element_type3A = arith.truncf %get3A_1 : vector<784x64xf32> to vector<784x64xbf16>
    %iota3A = tpu.iota {dimensions = array<i32: 1>} : vector<784x1024xi32>
    %broadcast_in_dim3A_3 = arith.constant 0x7F800000 : f32
    %broadcast_in_dim3A_4 = vector.broadcast %broadcast_in_dim3A_3 : f32 to vector<784x1xf32>
    %broadcast_in_dim3A_5 = arith.constant 0 : i32
    %broadcast_in_dim3A_6 = vector.broadcast %broadcast_in_dim3A_5 : i32 to vector<784x1xi32>
    %get3A_7 = arith.constant 0 : index
    %get3A_8 = arith.constant 0 : index
    %get3A_9 = vector.load %arg2[%get3A_7, %get3A_8] : memref<8192x64xf32, #tpu.memory_space<vmem>>, vector<1024x64xf32>
    %mul3A_10 = arith.mulf %get3A_9, %get3A_9 : vector<1024x64xf32>
    %reduce_sum3A_11 = arith.constant dense<0.000000e+00> : vector<1024xf32>
    %reduce_sum3A_12 = vector.multi_reduction <add>, %mul3A_10, %reduce_sum3A_11 [1] : vector<1024x64xf32> to vector<1024xf32>
    %broadcast_in_dim3A_13 = vector.shape_cast %reduce_sum3A_12 : vector<1024xf32> to vector<1024x1xf32>
    %transpose3A = tpu.transpose %broadcast_in_dim3A_13, [1, 0] : vector<1024x1xf32> -> vector<1x1024xf32>
    %convert_element_type3A_14 = arith.truncf %get3A_9 : vector<1024x64xf32> to vector<1024x64xbf16>
    %dot_general3A = arith.constant dense<0.000000e+00> : vector<784x1024xf32>
    %dot_general3A_15 = tpu.matmul %convert_element_type3A, %convert_element_type3A_14, %dot_general3A {dimension_numbers = #tpu.dot_dimension_numbers<[1], [1], [0], [0], [0, 0, 1, 0], [], []>, transpose_lhs_hint = false} : vector<784x64xbf16>, vector<1024x64xbf16>, vector<784x1024xf32> -> vector<784x1024xf32>
    %mul3A_16 = arith.constant 2.000000e+00 : f32
    %mul3A_17 = vector.broadcast %mul3A_16 : f32 to vector<784x1024xf32>
    %mul3A_18 = arith.mulf %mul3A_17, %dot_general3A_15 : vector<784x1024xf32>
    %sub3A = vector.broadcast %transpose3A : vector<1x1024xf32> to vector<784x1024xf32>
    %sub3A_19 = arith.subf %sub3A, %mul3A_18 : vector<784x1024xf32>
    %reduce_min3A = arith.constant dense<0x7F800000> : vector<784xf32>
    %reduce_min3A_20 = vector.multi_reduction <minimumf>, %sub3A_19, %reduce_min3A [1] : vector<784x1024xf32> to vector<784xf32>
    %broadcast_in_dim3A_21 = vector.shape_cast %reduce_min3A_20 : vector<784xf32> to vector<784x1xf32>
    %eq3A = vector.broadcast %broadcast_in_dim3A_21 : vector<784x1xf32> to vector<784x1024xf32>
    %eq3A_22 = arith.cmpf oeq, %sub3A_19, %eq3A : vector<784x1024xf32>
    %jit3A = arith.constant 1073741824 : i32
    %broadcast_in_dim3A_23 = vector.broadcast %jit3A : i32 to vector<784x1024xi32>
    %select_n3A = arith.select %eq3A_22, %iota3A, %broadcast_in_dim3A_23 : vector<784x1024xi1>, vector<784x1024xi32>
    %reduce_min3A_24 = arith.constant dense<2147483647> : vector<784xi32>
    %reduce_min3A_25 = vector.multi_reduction <minsi>, %select_n3A, %reduce_min3A_24 [1] : vector<784x1024xi32> to vector<784xi32>
    %broadcast_in_dim3A_26 = vector.shape_cast %reduce_min3A_25 : vector<784xi32> to vector<784x1xi32>
    %add3A = arith.constant 0 : i32
    %add3A_27 = vector.broadcast %add3A : i32 to vector<784x1xi32>
    %add3A_28 = arith.addi %broadcast_in_dim3A_26, %add3A_27 : vector<784x1xi32>
    %lt3A = arith.cmpf olt, %broadcast_in_dim3A_21, %broadcast_in_dim3A_4 : vector<784x1xf32>
    %select_n3A_29 = arith.select %lt3A, %broadcast_in_dim3A_21, %broadcast_in_dim3A_4 : vector<784x1xi1>, vector<784x1xf32>
    %select_n3A_30 = arith.select %lt3A, %add3A_28, %broadcast_in_dim3A_6 : vector<784x1xi1>, vector<784x1xi32>
    %get3A_31 = arith.constant 1024 : index
    %get3A_32 = arith.constant 0 : index
    %get3A_33 = vector.load %arg2[%get3A_31, %get3A_32] : memref<8192x64xf32, #tpu.memory_space<vmem>>, vector<1024x64xf32>
    %mul3A_34 = arith.mulf %get3A_33, %get3A_33 : vector<1024x64xf32>
    %reduce_sum3A_35 = arith.constant dense<0.000000e+00> : vector<1024xf32>
    %reduce_sum3A_36 = vector.multi_reduction <add>, %mul3A_34, %reduce_sum3A_35 [1] : vector<1024x64xf32> to vector<1024xf32>
    %broadcast_in_dim3A_37 = vector.shape_cast %reduce_sum3A_36 : vector<1024xf32> to vector<1024x1xf32>
    %transpose3A_38 = tpu.transpose %broadcast_in_dim3A_37, [1, 0] : vector<1024x1xf32> -> vector<1x1024xf32>
    %convert_element_type3A_39 = arith.truncf %get3A_33 : vector<1024x64xf32> to vector<1024x64xbf16>
    %dot_general3A_40 = arith.constant dense<0.000000e+00> : vector<784x1024xf32>
    %dot_general3A_41 = tpu.matmul %convert_element_type3A, %convert_element_type3A_39, %dot_general3A_40 {dimension_numbers = #tpu.dot_dimension_numbers<[1], [1], [0], [0], [0, 0, 1, 0], [], []>, transpose_lhs_hint = false} : vector<784x64xbf16>, vector<1024x64xbf16>, vector<784x1024xf32> -> vector<784x1024xf32>
    %mul3A_42 = arith.constant 2.000000e+00 : f32
    %mul3A_43 = vector.broadcast %mul3A_42 : f32 to vector<784x1024xf32>
    %mul3A_44 = arith.mulf %mul3A_43, %dot_general3A_41 : vector<784x1024xf32>
    %sub3A_45 = vector.broadcast %transpose3A_38 : vector<1x1024xf32> to vector<784x1024xf32>
    %sub3A_46 = arith.subf %sub3A_45, %mul3A_44 : vector<784x1024xf32>
    %reduce_min3A_47 = arith.constant dense<0x7F800000> : vector<784xf32>
    %reduce_min3A_48 = vector.multi_reduction <minimumf>, %sub3A_46, %reduce_min3A_47 [1] : vector<784x1024xf32> to vector<784xf32>
    %broadcast_in_dim3A_49 = vector.shape_cast %reduce_min3A_48 : vector<784xf32> to vector<784x1xf32>
    %eq3A_50 = vector.broadcast %broadcast_in_dim3A_49 : vector<784x1xf32> to vector<784x1024xf32>
    %eq3A_51 = arith.cmpf oeq, %sub3A_46, %eq3A_50 : vector<784x1024xf32>
    %jit3A_52 = arith.constant 1073741824 : i32
    %broadcast_in_dim3A_53 = vector.broadcast %jit3A_52 : i32 to vector<784x1024xi32>
    %select_n3A_54 = arith.select %eq3A_51, %iota3A, %broadcast_in_dim3A_53 : vector<784x1024xi1>, vector<784x1024xi32>
    %reduce_min3A_55 = arith.constant dense<2147483647> : vector<784xi32>
    %reduce_min3A_56 = vector.multi_reduction <minsi>, %select_n3A_54, %reduce_min3A_55 [1] : vector<784x1024xi32> to vector<784xi32>
    %broadcast_in_dim3A_57 = vector.shape_cast %reduce_min3A_56 : vector<784xi32> to vector<784x1xi32>
    %add3A_58 = arith.constant 1024 : i32
    %add3A_59 = vector.broadcast %add3A_58 : i32 to vector<784x1xi32>
    %add3A_60 = arith.addi %broadcast_in_dim3A_57, %add3A_59 : vector<784x1xi32>
    %lt3A_61 = arith.cmpf olt, %broadcast_in_dim3A_49, %select_n3A_29 : vector<784x1xf32>
    %select_n3A_62 = arith.select %lt3A_61, %broadcast_in_dim3A_49, %select_n3A_29 : vector<784x1xi1>, vector<784x1xf32>
    %select_n3A_63 = arith.select %lt3A_61, %add3A_60, %select_n3A_30 : vector<784x1xi1>, vector<784x1xi32>
    %get3A_64 = arith.constant 2048 : index
    %get3A_65 = arith.constant 0 : index
    %get3A_66 = vector.load %arg2[%get3A_64, %get3A_65] : memref<8192x64xf32, #tpu.memory_space<vmem>>, vector<1024x64xf32>
    %mul3A_67 = arith.mulf %get3A_66, %get3A_66 : vector<1024x64xf32>
    %reduce_sum3A_68 = arith.constant dense<0.000000e+00> : vector<1024xf32>
    %reduce_sum3A_69 = vector.multi_reduction <add>, %mul3A_67, %reduce_sum3A_68 [1] : vector<1024x64xf32> to vector<1024xf32>
    %broadcast_in_dim3A_70 = vector.shape_cast %reduce_sum3A_69 : vector<1024xf32> to vector<1024x1xf32>
    %transpose3A_71 = tpu.transpose %broadcast_in_dim3A_70, [1, 0] : vector<1024x1xf32> -> vector<1x1024xf32>
    %convert_element_type3A_72 = arith.truncf %get3A_66 : vector<1024x64xf32> to vector<1024x64xbf16>
    %dot_general3A_73 = arith.constant dense<0.000000e+00> : vector<784x1024xf32>
    %dot_general3A_74 = tpu.matmul %convert_element_type3A, %convert_element_type3A_72, %dot_general3A_73 {dimension_numbers = #tpu.dot_dimension_numbers<[1], [1], [0], [0], [0, 0, 1, 0], [], []>, transpose_lhs_hint = false} : vector<784x64xbf16>, vector<1024x64xbf16>, vector<784x1024xf32> -> vector<784x1024xf32>
    %mul3A_75 = arith.constant 2.000000e+00 : f32
    %mul3A_76 = vector.broadcast %mul3A_75 : f32 to vector<784x1024xf32>
    %mul3A_77 = arith.mulf %mul3A_76, %dot_general3A_74 : vector<784x1024xf32>
    %sub3A_78 = vector.broadcast %transpose3A_71 : vector<1x1024xf32> to vector<784x1024xf32>
    %sub3A_79 = arith.subf %sub3A_78, %mul3A_77 : vector<784x1024xf32>
    %reduce_min3A_80 = arith.constant dense<0x7F800000> : vector<784xf32>
    %reduce_min3A_81 = vector.multi_reduction <minimumf>, %sub3A_79, %reduce_min3A_80 [1] : vector<784x1024xf32> to vector<784xf32>
    %broadcast_in_dim3A_82 = vector.shape_cast %reduce_min3A_81 : vector<784xf32> to vector<784x1xf32>
    %eq3A_83 = vector.broadcast %broadcast_in_dim3A_82 : vector<784x1xf32> to vector<784x1024xf32>
    %eq3A_84 = arith.cmpf oeq, %sub3A_79, %eq3A_83 : vector<784x1024xf32>
    %jit3A_85 = arith.constant 1073741824 : i32
    %broadcast_in_dim3A_86 = vector.broadcast %jit3A_85 : i32 to vector<784x1024xi32>
    %select_n3A_87 = arith.select %eq3A_84, %iota3A, %broadcast_in_dim3A_86 : vector<784x1024xi1>, vector<784x1024xi32>
    %reduce_min3A_88 = arith.constant dense<2147483647> : vector<784xi32>
    %reduce_min3A_89 = vector.multi_reduction <minsi>, %select_n3A_87, %reduce_min3A_88 [1] : vector<784x1024xi32> to vector<784xi32>
    %broadcast_in_dim3A_90 = vector.shape_cast %reduce_min3A_89 : vector<784xi32> to vector<784x1xi32>
    %add3A_91 = arith.constant 2048 : i32
    %add3A_92 = vector.broadcast %add3A_91 : i32 to vector<784x1xi32>
    %add3A_93 = arith.addi %broadcast_in_dim3A_90, %add3A_92 : vector<784x1xi32>
    %lt3A_94 = arith.cmpf olt, %broadcast_in_dim3A_82, %select_n3A_62 : vector<784x1xf32>
    %select_n3A_95 = arith.select %lt3A_94, %broadcast_in_dim3A_82, %select_n3A_62 : vector<784x1xi1>, vector<784x1xf32>
    %select_n3A_96 = arith.select %lt3A_94, %add3A_93, %select_n3A_63 : vector<784x1xi1>, vector<784x1xi32>
    %get3A_97 = arith.constant 3072 : index
    %get3A_98 = arith.constant 0 : index
    %get3A_99 = vector.load %arg2[%get3A_97, %get3A_98] : memref<8192x64xf32, #tpu.memory_space<vmem>>, vector<1024x64xf32>
    %mul3A_100 = arith.mulf %get3A_99, %get3A_99 : vector<1024x64xf32>
    %reduce_sum3A_101 = arith.constant dense<0.000000e+00> : vector<1024xf32>
    %reduce_sum3A_102 = vector.multi_reduction <add>, %mul3A_100, %reduce_sum3A_101 [1] : vector<1024x64xf32> to vector<1024xf32>
    %broadcast_in_dim3A_103 = vector.shape_cast %reduce_sum3A_102 : vector<1024xf32> to vector<1024x1xf32>
    %transpose3A_104 = tpu.transpose %broadcast_in_dim3A_103, [1, 0] : vector<1024x1xf32> -> vector<1x1024xf32>
    %convert_element_type3A_105 = arith.truncf %get3A_99 : vector<1024x64xf32> to vector<1024x64xbf16>
    %dot_general3A_106 = arith.constant dense<0.000000e+00> : vector<784x1024xf32>
    %dot_general3A_107 = tpu.matmul %convert_element_type3A, %convert_element_type3A_105, %dot_general3A_106 {dimension_numbers = #tpu.dot_dimension_numbers<[1], [1], [0], [0], [0, 0, 1, 0], [], []>, transpose_lhs_hint = false} : vector<784x64xbf16>, vector<1024x64xbf16>, vector<784x1024xf32> -> vector<784x1024xf32>
    %mul3A_108 = arith.constant 2.000000e+00 : f32
    %mul3A_109 = vector.broadcast %mul3A_108 : f32 to vector<784x1024xf32>
    %mul3A_110 = arith.mulf %mul3A_109, %dot_general3A_107 : vector<784x1024xf32>
    %sub3A_111 = vector.broadcast %transpose3A_104 : vector<1x1024xf32> to vector<784x1024xf32>
    %sub3A_112 = arith.subf %sub3A_111, %mul3A_110 : vector<784x1024xf32>
    %reduce_min3A_113 = arith.constant dense<0x7F800000> : vector<784xf32>
    %reduce_min3A_114 = vector.multi_reduction <minimumf>, %sub3A_112, %reduce_min3A_113 [1] : vector<784x1024xf32> to vector<784xf32>
    %broadcast_in_dim3A_115 = vector.shape_cast %reduce_min3A_114 : vector<784xf32> to vector<784x1xf32>
    %eq3A_116 = vector.broadcast %broadcast_in_dim3A_115 : vector<784x1xf32> to vector<784x1024xf32>
    %eq3A_117 = arith.cmpf oeq, %sub3A_112, %eq3A_116 : vector<784x1024xf32>
    %jit3A_118 = arith.constant 1073741824 : i32
    %broadcast_in_dim3A_119 = vector.broadcast %jit3A_118 : i32 to vector<784x1024xi32>
    %select_n3A_120 = arith.select %eq3A_117, %iota3A, %broadcast_in_dim3A_119 : vector<784x1024xi1>, vector<784x1024xi32>
    %reduce_min3A_121 = arith.constant dense<2147483647> : vector<784xi32>
    %reduce_min3A_122 = vector.multi_reduction <minsi>, %select_n3A_120, %reduce_min3A_121 [1] : vector<784x1024xi32> to vector<784xi32>
    %broadcast_in_dim3A_123 = vector.shape_cast %reduce_min3A_122 : vector<784xi32> to vector<784x1xi32>
    %add3A_124 = arith.constant 3072 : i32
    %add3A_125 = vector.broadcast %add3A_124 : i32 to vector<784x1xi32>
    %add3A_126 = arith.addi %broadcast_in_dim3A_123, %add3A_125 : vector<784x1xi32>
    %lt3A_127 = arith.cmpf olt, %broadcast_in_dim3A_115, %select_n3A_95 : vector<784x1xf32>
    %select_n3A_128 = arith.select %lt3A_127, %broadcast_in_dim3A_115, %select_n3A_95 : vector<784x1xi1>, vector<784x1xf32>
    %select_n3A_129 = arith.select %lt3A_127, %add3A_126, %select_n3A_96 : vector<784x1xi1>, vector<784x1xi32>
    %get3A_130 = arith.constant 4096 : index
    %get3A_131 = arith.constant 0 : index
    %get3A_132 = vector.load %arg2[%get3A_130, %get3A_131] : memref<8192x64xf32, #tpu.memory_space<vmem>>, vector<1024x64xf32>
    %mul3A_133 = arith.mulf %get3A_132, %get3A_132 : vector<1024x64xf32>
    %reduce_sum3A_134 = arith.constant dense<0.000000e+00> : vector<1024xf32>
    %reduce_sum3A_135 = vector.multi_reduction <add>, %mul3A_133, %reduce_sum3A_134 [1] : vector<1024x64xf32> to vector<1024xf32>
    %broadcast_in_dim3A_136 = vector.shape_cast %reduce_sum3A_135 : vector<1024xf32> to vector<1024x1xf32>
    %transpose3A_137 = tpu.transpose %broadcast_in_dim3A_136, [1, 0] : vector<1024x1xf32> -> vector<1x1024xf32>
    %convert_element_type3A_138 = arith.truncf %get3A_132 : vector<1024x64xf32> to vector<1024x64xbf16>
    %dot_general3A_139 = arith.constant dense<0.000000e+00> : vector<784x1024xf32>
    %dot_general3A_140 = tpu.matmul %convert_element_type3A, %convert_element_type3A_138, %dot_general3A_139 {dimension_numbers = #tpu.dot_dimension_numbers<[1], [1], [0], [0], [0, 0, 1, 0], [], []>, transpose_lhs_hint = false} : vector<784x64xbf16>, vector<1024x64xbf16>, vector<784x1024xf32> -> vector<784x1024xf32>
    %mul3A_141 = arith.constant 2.000000e+00 : f32
    %mul3A_142 = vector.broadcast %mul3A_141 : f32 to vector<784x1024xf32>
    %mul3A_143 = arith.mulf %mul3A_142, %dot_general3A_140 : vector<784x1024xf32>
    %sub3A_144 = vector.broadcast %transpose3A_137 : vector<1x1024xf32> to vector<784x1024xf32>
    %sub3A_145 = arith.subf %sub3A_144, %mul3A_143 : vector<784x1024xf32>
    %reduce_min3A_146 = arith.constant dense<0x7F800000> : vector<784xf32>
    %reduce_min3A_147 = vector.multi_reduction <minimumf>, %sub3A_145, %reduce_min3A_146 [1] : vector<784x1024xf32> to vector<784xf32>
    %broadcast_in_dim3A_148 = vector.shape_cast %reduce_min3A_147 : vector<784xf32> to vector<784x1xf32>
    %eq3A_149 = vector.broadcast %broadcast_in_dim3A_148 : vector<784x1xf32> to vector<784x1024xf32>
    %eq3A_150 = arith.cmpf oeq, %sub3A_145, %eq3A_149 : vector<784x1024xf32>
    %jit3A_151 = arith.constant 1073741824 : i32
    %broadcast_in_dim3A_152 = vector.broadcast %jit3A_151 : i32 to vector<784x1024xi32>
    %select_n3A_153 = arith.select %eq3A_150, %iota3A, %broadcast_in_dim3A_152 : vector<784x1024xi1>, vector<784x1024xi32>
    %reduce_min3A_154 = arith.constant dense<2147483647> : vector<784xi32>
    %reduce_min3A_155 = vector.multi_reduction <minsi>, %select_n3A_153, %reduce_min3A_154 [1] : vector<784x1024xi32> to vector<784xi32>
    %broadcast_in_dim3A_156 = vector.shape_cast %reduce_min3A_155 : vector<784xi32> to vector<784x1xi32>
    %add3A_157 = arith.constant 4096 : i32
    %add3A_158 = vector.broadcast %add3A_157 : i32 to vector<784x1xi32>
    %add3A_159 = arith.addi %broadcast_in_dim3A_156, %add3A_158 : vector<784x1xi32>
    %lt3A_160 = arith.cmpf olt, %broadcast_in_dim3A_148, %select_n3A_128 : vector<784x1xf32>
    %select_n3A_161 = arith.select %lt3A_160, %broadcast_in_dim3A_148, %select_n3A_128 : vector<784x1xi1>, vector<784x1xf32>
    %select_n3A_162 = arith.select %lt3A_160, %add3A_159, %select_n3A_129 : vector<784x1xi1>, vector<784x1xi32>
    %get3A_163 = arith.constant 5120 : index
    %get3A_164 = arith.constant 0 : index
    %get3A_165 = vector.load %arg2[%get3A_163, %get3A_164] : memref<8192x64xf32, #tpu.memory_space<vmem>>, vector<1024x64xf32>
    %mul3A_166 = arith.mulf %get3A_165, %get3A_165 : vector<1024x64xf32>
    %reduce_sum3A_167 = arith.constant dense<0.000000e+00> : vector<1024xf32>
    %reduce_sum3A_168 = vector.multi_reduction <add>, %mul3A_166, %reduce_sum3A_167 [1] : vector<1024x64xf32> to vector<1024xf32>
    %broadcast_in_dim3A_169 = vector.shape_cast %reduce_sum3A_168 : vector<1024xf32> to vector<1024x1xf32>
    %transpose3A_170 = tpu.transpose %broadcast_in_dim3A_169, [1, 0] : vector<1024x1xf32> -> vector<1x1024xf32>
    %convert_element_type3A_171 = arith.truncf %get3A_165 : vector<1024x64xf32> to vector<1024x64xbf16>
    %dot_general3A_172 = arith.constant dense<0.000000e+00> : vector<784x1024xf32>
    %dot_general3A_173 = tpu.matmul %convert_element_type3A, %convert_element_type3A_171, %dot_general3A_172 {dimension_numbers = #tpu.dot_dimension_numbers<[1], [1], [0], [0], [0, 0, 1, 0], [], []>, transpose_lhs_hint = false} : vector<784x64xbf16>, vector<1024x64xbf16>, vector<784x1024xf32> -> vector<784x1024xf32>
    %mul3A_174 = arith.constant 2.000000e+00 : f32
    %mul3A_175 = vector.broadcast %mul3A_174 : f32 to vector<784x1024xf32>
    %mul3A_176 = arith.mulf %mul3A_175, %dot_general3A_173 : vector<784x1024xf32>
    %sub3A_177 = vector.broadcast %transpose3A_170 : vector<1x1024xf32> to vector<784x1024xf32>
    %sub3A_178 = arith.subf %sub3A_177, %mul3A_176 : vector<784x1024xf32>
    %reduce_min3A_179 = arith.constant dense<0x7F800000> : vector<784xf32>
    %reduce_min3A_180 = vector.multi_reduction <minimumf>, %sub3A_178, %reduce_min3A_179 [1] : vector<784x1024xf32> to vector<784xf32>
    %broadcast_in_dim3A_181 = vector.shape_cast %reduce_min3A_180 : vector<784xf32> to vector<784x1xf32>
    %eq3A_182 = vector.broadcast %broadcast_in_dim3A_181 : vector<784x1xf32> to vector<784x1024xf32>
    %eq3A_183 = arith.cmpf oeq, %sub3A_178, %eq3A_182 : vector<784x1024xf32>
    %jit3A_184 = arith.constant 1073741824 : i32
    %broadcast_in_dim3A_185 = vector.broadcast %jit3A_184 : i32 to vector<784x1024xi32>
    %select_n3A_186 = arith.select %eq3A_183, %iota3A, %broadcast_in_dim3A_185 : vector<784x1024xi1>, vector<784x1024xi32>
    %reduce_min3A_187 = arith.constant dense<2147483647> : vector<784xi32>
    %reduce_min3A_188 = vector.multi_reduction <minsi>, %select_n3A_186, %reduce_min3A_187 [1] : vector<784x1024xi32> to vector<784xi32>
    %broadcast_in_dim3A_189 = vector.shape_cast %reduce_min3A_188 : vector<784xi32> to vector<784x1xi32>
    %add3A_190 = arith.constant 5120 : i32
    %add3A_191 = vector.broadcast %add3A_190 : i32 to vector<784x1xi32>
    %add3A_192 = arith.addi %broadcast_in_dim3A_189, %add3A_191 : vector<784x1xi32>
    %lt3A_193 = arith.cmpf olt, %broadcast_in_dim3A_181, %select_n3A_161 : vector<784x1xf32>
    %select_n3A_194 = arith.select %lt3A_193, %broadcast_in_dim3A_181, %select_n3A_161 : vector<784x1xi1>, vector<784x1xf32>
    %select_n3A_195 = arith.select %lt3A_193, %add3A_192, %select_n3A_162 : vector<784x1xi1>, vector<784x1xi32>
    %get3A_196 = arith.constant 6144 : index
    %get3A_197 = arith.constant 0 : index
    %get3A_198 = vector.load %arg2[%get3A_196, %get3A_197] : memref<8192x64xf32, #tpu.memory_space<vmem>>, vector<1024x64xf32>
    %mul3A_199 = arith.mulf %get3A_198, %get3A_198 : vector<1024x64xf32>
    %reduce_sum3A_200 = arith.constant dense<0.000000e+00> : vector<1024xf32>
    %reduce_sum3A_201 = vector.multi_reduction <add>, %mul3A_199, %reduce_sum3A_200 [1] : vector<1024x64xf32> to vector<1024xf32>
    %broadcast_in_dim3A_202 = vector.shape_cast %reduce_sum3A_201 : vector<1024xf32> to vector<1024x1xf32>
    %transpose3A_203 = tpu.transpose %broadcast_in_dim3A_202, [1, 0] : vector<1024x1xf32> -> vector<1x1024xf32>
    %convert_element_type3A_204 = arith.truncf %get3A_198 : vector<1024x64xf32> to vector<1024x64xbf16>
    %dot_general3A_205 = arith.constant dense<0.000000e+00> : vector<784x1024xf32>
    %dot_general3A_206 = tpu.matmul %convert_element_type3A, %convert_element_type3A_204, %dot_general3A_205 {dimension_numbers = #tpu.dot_dimension_numbers<[1], [1], [0], [0], [0, 0, 1, 0], [], []>, transpose_lhs_hint = false} : vector<784x64xbf16>, vector<1024x64xbf16>, vector<784x1024xf32> -> vector<784x1024xf32>
    %mul3A_207 = arith.constant 2.000000e+00 : f32
    %mul3A_208 = vector.broadcast %mul3A_207 : f32 to vector<784x1024xf32>
    %mul3A_209 = arith.mulf %mul3A_208, %dot_general3A_206 : vector<784x1024xf32>
    %sub3A_210 = vector.broadcast %transpose3A_203 : vector<1x1024xf32> to vector<784x1024xf32>
    %sub3A_211 = arith.subf %sub3A_210, %mul3A_209 : vector<784x1024xf32>
    %reduce_min3A_212 = arith.constant dense<0x7F800000> : vector<784xf32>
    %reduce_min3A_213 = vector.multi_reduction <minimumf>, %sub3A_211, %reduce_min3A_212 [1] : vector<784x1024xf32> to vector<784xf32>
    %broadcast_in_dim3A_214 = vector.shape_cast %reduce_min3A_213 : vector<784xf32> to vector<784x1xf32>
    %eq3A_215 = vector.broadcast %broadcast_in_dim3A_214 : vector<784x1xf32> to vector<784x1024xf32>
    %eq3A_216 = arith.cmpf oeq, %sub3A_211, %eq3A_215 : vector<784x1024xf32>
    %jit3A_217 = arith.constant 1073741824 : i32
    %broadcast_in_dim3A_218 = vector.broadcast %jit3A_217 : i32 to vector<784x1024xi32>
    %select_n3A_219 = arith.select %eq3A_216, %iota3A, %broadcast_in_dim3A_218 : vector<784x1024xi1>, vector<784x1024xi32>
    %reduce_min3A_220 = arith.constant dense<2147483647> : vector<784xi32>
    %reduce_min3A_221 = vector.multi_reduction <minsi>, %select_n3A_219, %reduce_min3A_220 [1] : vector<784x1024xi32> to vector<784xi32>
    %broadcast_in_dim3A_222 = vector.shape_cast %reduce_min3A_221 : vector<784xi32> to vector<784x1xi32>
    %add3A_223 = arith.constant 6144 : i32
    %add3A_224 = vector.broadcast %add3A_223 : i32 to vector<784x1xi32>
    %add3A_225 = arith.addi %broadcast_in_dim3A_222, %add3A_224 : vector<784x1xi32>
    %lt3A_226 = arith.cmpf olt, %broadcast_in_dim3A_214, %select_n3A_194 : vector<784x1xf32>
    %select_n3A_227 = arith.select %lt3A_226, %broadcast_in_dim3A_214, %select_n3A_194 : vector<784x1xi1>, vector<784x1xf32>
    %select_n3A_228 = arith.select %lt3A_226, %add3A_225, %select_n3A_195 : vector<784x1xi1>, vector<784x1xi32>
    %get3A_229 = arith.constant 7168 : index
    %get3A_230 = arith.constant 0 : index
    %get3A_231 = vector.load %arg2[%get3A_229, %get3A_230] : memref<8192x64xf32, #tpu.memory_space<vmem>>, vector<1024x64xf32>
    %mul3A_232 = arith.mulf %get3A_231, %get3A_231 : vector<1024x64xf32>
    %reduce_sum3A_233 = arith.constant dense<0.000000e+00> : vector<1024xf32>
    %reduce_sum3A_234 = vector.multi_reduction <add>, %mul3A_232, %reduce_sum3A_233 [1] : vector<1024x64xf32> to vector<1024xf32>
    %broadcast_in_dim3A_235 = vector.shape_cast %reduce_sum3A_234 : vector<1024xf32> to vector<1024x1xf32>
    %transpose3A_236 = tpu.transpose %broadcast_in_dim3A_235, [1, 0] : vector<1024x1xf32> -> vector<1x1024xf32>
    %convert_element_type3A_237 = arith.truncf %get3A_231 : vector<1024x64xf32> to vector<1024x64xbf16>
    %dot_general3A_238 = arith.constant dense<0.000000e+00> : vector<784x1024xf32>
    %dot_general3A_239 = tpu.matmul %convert_element_type3A, %convert_element_type3A_237, %dot_general3A_238 {dimension_numbers = #tpu.dot_dimension_numbers<[1], [1], [0], [0], [0, 0, 1, 0], [], []>, transpose_lhs_hint = false} : vector<784x64xbf16>, vector<1024x64xbf16>, vector<784x1024xf32> -> vector<784x1024xf32>
    %mul3A_240 = arith.constant 2.000000e+00 : f32
    %mul3A_241 = vector.broadcast %mul3A_240 : f32 to vector<784x1024xf32>
    %mul3A_242 = arith.mulf %mul3A_241, %dot_general3A_239 : vector<784x1024xf32>
    %sub3A_243 = vector.broadcast %transpose3A_236 : vector<1x1024xf32> to vector<784x1024xf32>
    %sub3A_244 = arith.subf %sub3A_243, %mul3A_242 : vector<784x1024xf32>
    %reduce_min3A_245 = arith.constant dense<0x7F800000> : vector<784xf32>
    %reduce_min3A_246 = vector.multi_reduction <minimumf>, %sub3A_244, %reduce_min3A_245 [1] : vector<784x1024xf32> to vector<784xf32>
    %broadcast_in_dim3A_247 = vector.shape_cast %reduce_min3A_246 : vector<784xf32> to vector<784x1xf32>
    %eq3A_248 = vector.broadcast %broadcast_in_dim3A_247 : vector<784x1xf32> to vector<784x1024xf32>
    %eq3A_249 = arith.cmpf oeq, %sub3A_244, %eq3A_248 : vector<784x1024xf32>
    %jit3A_250 = arith.constant 1073741824 : i32
    %broadcast_in_dim3A_251 = vector.broadcast %jit3A_250 : i32 to vector<784x1024xi32>
    %select_n3A_252 = arith.select %eq3A_249, %iota3A, %broadcast_in_dim3A_251 : vector<784x1024xi1>, vector<784x1024xi32>
    %reduce_min3A_253 = arith.constant dense<2147483647> : vector<784xi32>
    %reduce_min3A_254 = vector.multi_reduction <minsi>, %select_n3A_252, %reduce_min3A_253 [1] : vector<784x1024xi32> to vector<784xi32>
    %broadcast_in_dim3A_255 = vector.shape_cast %reduce_min3A_254 : vector<784xi32> to vector<784x1xi32>
    %add3A_256 = arith.constant 7168 : i32
    %add3A_257 = vector.broadcast %add3A_256 : i32 to vector<784x1xi32>
    %add3A_258 = arith.addi %broadcast_in_dim3A_255, %add3A_257 : vector<784x1xi32>
    %lt3A_259 = arith.cmpf olt, %broadcast_in_dim3A_247, %select_n3A_227 : vector<784x1xf32>
    %select_n3A_260 = arith.select %lt3A_259, %broadcast_in_dim3A_247, %select_n3A_227 : vector<784x1xi1>, vector<784x1xf32>
    %select_n3A_261 = arith.select %lt3A_259, %add3A_258, %select_n3A_228 : vector<784x1xi1>, vector<784x1xi32>
    %squeeze3A = vector.shape_cast %select_n3A_261 : vector<784x1xi32> to vector<784xi32>
    %swap3A = arith.constant 0 : index
    %swap3A_262 = arith.constant 0 : index
    %swap3A_263 = arith.constant 0 : index
    %swap3A_264 = vector.load %arg3[%swap3A, %swap3A_262, %swap3A_263] : memref<1x1x784xi32, #tpu.memory_space<vmem>>, vector<1x1x784xi32>
    %swap3A_265 = vector.shape_cast %swap3A_264 : vector<1x1x784xi32> to vector<784xi32>
    %swap3A_266 = vector.shape_cast %squeeze3A : vector<784xi32> to vector<1x1x784xi32>
    tpu.vector_store %arg3[%swap3A, %swap3A_262, %swap3A_263], %swap3A_266 {strides = array<i32>} : memref<1x1x784xi32, #tpu.memory_space<vmem>>, vector<1x1x784xi32>,
    %add3A_267 = arith.addf %select_n3A_260, %broadcast_in_dim3A : vector<784x1xf32>
    %reduce_sum3A_268 = vector.shape_cast %add3A_267 : vector<784x1xf32> to vector<1x784x1xf32>
    %reduce_sum3A_269 = arith.constant dense<0.000000e+00> : vector<1xf32>
    %reduce_sum3A_270 = vector.multi_reduction <add>, %reduce_sum3A_268, %reduce_sum3A_269 [1, 2] : vector<1x784x1xf32> to vector<1xf32>
    %reduce_sum3A_271 = vector.shape_cast %reduce_sum3A_270 : vector<1xf32> to vector<1x1x1xf32>
    %reduce_sum3A_272 = vector.extract %reduce_sum3A_271[0, 0, 0] : f32 from vector<1x1x1xf32>
    %reshape3A = vector.broadcast %reduce_sum3A_272 : f32 to vector<1x1xf32>
    %eq3A_273 = arith.constant 0 : i32
    %eq3A_274 = arith.cmpi eq, %arg0, %eq3A_273 : i32
    %broadcast_in_dim3A_275 = arith.constant 0.000000e+00 : f32
    %broadcast_in_dim3A_276 = vector.broadcast %broadcast_in_dim3A_275 : f32 to vector<1x1xf32>
    %get3A_277 = arith.constant 0 : index
    %get3A_278 = arith.constant 0 : index
    %get3A_279 = vector.load %arg4[%get3A_277, %get3A_278] : memref<1x1xf32, #tpu.memory_space<vmem>>, vector<1x1xf32>
    %select_n3A_280 = arith.select %eq3A_274, %broadcast_in_dim3A_276, %get3A_279 : vector<1x1xf32>
    %add3A_281 = arith.addf %select_n3A_280, %reshape3A : vector<1x1xf32>
    %swap3A_282 = arith.constant 0 : index
    %swap3A_283 = arith.constant 0 : index
    %swap3A_284 = vector.load %arg4[%swap3A_282, %swap3A_283] : memref<1x1xf32, #tpu.memory_space<vmem>>, vector<1x1xf32>
    tpu.vector_store %arg4[%swap3A_282, %swap3A_283], %add3A_281 {strides = array<i32>} : memref<1x1xf32, #tpu.memory_space<vmem>>, vector<1x1xf32>,
    return
  }
  func.func @transform_0(%arg0: i32) -> (i32, i32) {
    %c0_i32 = arith.constant 0 : i32
    %c0_i32_0 = arith.constant 0 : i32
    return %arg0, %c0_i32 : i32, i32
  }
  func.func @transform_1(%arg0: i32) -> (i32, i32) {
    %c0_i32 = arith.constant 0 : i32
    %c0_i32_0 = arith.constant 0 : i32
    %c0_i32_1 = arith.constant 0 : i32
    return %c0_i32, %c0_i32_0 : i32, i32
  }
  func.func @transform_2(%arg0: i32) -> (i32, i32, i32) {
    %c0_i32 = arith.constant 0 : i32
    %c0_i32_0 = arith.constant 0 : i32
    %c0_i32_1 = arith.constant 0 : i32
    return %arg0, %c0_i32, %c0_i32_0 : i32, i32, i32
  }
  func.func @transform_3(%arg0: i32) -> (i32, i32) {
    %c0_i32 = arith.constant 0 : i32
    %c0_i32_0 = arith.constant 0 : i32
    %c0_i32_1 = arith.constant 0 : i32
    return %c0_i32, %c0_i32_0 : i32, i32
  }
}

</mosaic_0001>

<sc_bundles>
// kernel: kernel.4.cloned.1.call-start
scs
__scs_entry_jumppad:
0x0: {  	(pc) =	sbr.rel $0x88, $3  }
0x1: {  	(tag) =	ssettag $0x0;
	lr =	simm.s32 $0x1  }
0x2: {  	[smem:$0x3F93] =	sst lr;
	_ =	strace $0xD0000000  }
0x3: {  	_ = 	snop  }
0x4: {  	_ = 	snop  }
0x5: {  	_ = 	snop  }
0x6: {  	_ = 	snop  }
0x7: {  	_ = 	snop  }
__scs_overlays_trampoline_lowered:
0x8: {  	[smem:$0x3FA2] =	sst s0  }
0x9: {  	[smem:$0x3FA3] =	sst s1  }
0xa: {  	[smem:$0x3FA4] =	sst s2  }
0xb: {  	[smem:$0x3FA5] =	sst s3  }
0xc: {  	[smem:$0x3FA6] =	sst s4  }
0xd: {  	[smem:$0x3FA7] =	sst s5  }
0xe: {  	[smem:$0x3FA8] =	sst s6  }
0xf: {  	[smem:$0x3FA9] =	sst s7  }
0x10: {  	[smem:$0x3FAA] =	sst s8  }
0x11: {  	[smem:$0x3FAB] =	sst s9;
	s0 =	simm.s32 @!p0 $0x0  }
0x12: {  	s1 =	sld [smem:$0x3F91];
	s0 =	simm.s32 @p0 $0x1  }
0x13: {  	[smem:$0x3FAC] =	sst s0;
	s0 =	simm.s32 @!p1 $0x0  }
0x14: {  	s2 =	sld [smem:$0x3F90];
	s0 =	simm.s32 @p1 $0x1  }
0x15: {  	[smem:$0x3FAD] =	sst s0;
	s0 =	simm.s32 @!p2 $0x0  }
0x16: {  	s3 =	sld [smem:$0x3FDB];
	s0 =	simm.s32 @p2 $0x1  }
0x17: {  	s4 =	simm.s32 $0x1BF5;
	[smem:$0x3FAF] =	sst s0  }
0x18: {  	s0 =	sld [smem:$0x3F92];
	_ =	swait.ge [sflag:s4], $0x0  }
0x19: {  	s7 =	sld [smem:$0x3F93]  }
0x1a: {  	s8 =	sadd.s32 $0xFFFFE003, lr  }
0x1b: {  	s9 =	sadd.s32 $0xFFFFFEF7, lr;
	s5 =	simm.s32 $0xFFFFFFFF;
	p2 =	slt.u32 s8, $0xFFFFF086  }
0x1c: {  	p1 =	slt.u32 s9, $0xF7A;
	s5 =	simm.s32 @!p2 $0x0  }
0x1d: {  	s5 =	simm.s32 @p1 $0x1;
	p0 =	seq.s32 s7, s2  }
0x1e: {  	s7 =	smul.u32 @!p0 $0xF7A, s2;
	p2 =	seq.s32 @!p0 s5, $0x0  }
0x1f: {  	s9 =	smul.u32 $0xF7A, s1;
	s8 =	simm.s32 @!p0 $0x1BF5;
	p2 =	por !p2, p0  }
0x20: {  	[sflag:s8] =	ssyncset.s32 @!p0 $0xFFFFF086;
	s6 =	sadd.s32 @!p0 s3, s7;
	s7 =	simm.s32 @!p0 $0x108  }
0x21: {  	s3 =	sadd.s32 s3, s9;
	s6 =	sadd.s32 @!p0 $0x88, s6;
	s7 =	simm.s32 @p2 $0x1082  }
0x22: {  	[simem:s7], [sflag:s8] =	dma.local @!p0 [hbm:s6], $0xF7A  }
0x23: {  	s9 =	sor.u32 $0xD0000000, s2;
	s6 =	simm.s32 $0x108;
	_ =	swait.ge @!p0 [sflag:s8], $0x0  }
0x24: {  	s3 =	sadd.s32 $0x88, s3;
	s6 =	simm.s32 @!p1 $0x1082;
	[sflag:s4] =	ssyncset.s32 $0xFFFFF086  }
0x25: {  	[simem:s6], [sflag:s4] =	dma.local [hbm:s3], $0xF7A  }
0x26: {  	[smem:$0x3F93] =	sst s1;
	(tag) =	ssettag s2;
	_ =	strace s9  }
0x27: {  	s1 =	sld [smem:$0x3FA3]  }
0x28: {  	s2 =	sld [smem:$0x3FA4]  }
0x29: {  	s4 =	sld [smem:$0x3FA6]  }
0x2a: {  	p0 =	seq.s32 s5, $0x0;
	s5 =	sld [smem:$0x3FA7]  }
0x2b: {  	s6 =	sld [smem:$0x3FA8]  }
0x2c: {  	s7 =	sld [smem:$0x3FA9]  }
0x2d: {  	s3 =	simm.s32 $0x108;
	s8 =	sld [smem:$0x3FAA]  }
0x2e: {  	s3 =	simm.s32 @!p0 $0x1082;
	s9 =	sld [smem:$0x3FAB]  }
0x2f: {  	lr =	sadd.s32 s0, s3;
	s0 =	sld [smem:$0x3FA2]  }
0x30: {  	s3 =	sld [smem:$0x3FA5]  }
0x31: {  	[smem:$0x3FAE] =	sst s10  }
0x32: {  	s10 =	sld [smem:$0x3FAC];
	_ =	sdelay $0x3  }
0x33: {  	p0 =	seq.s32 s10, $0x1;
	s10 =	sld [smem:$0x3FAE];
	_ =	sdelay $0x3  }
0x34: {  	[smem:$0x3FAE] =	sst s10  }
0x35: {  	s10 =	sld [smem:$0x3FAD];
	_ =	sdelay $0x3  }
0x36: {  	p1 =	seq.s32 s10, $0x1;
	s10 =	sld [smem:$0x3FAE];
	_ =	sdelay $0x3  }
0x37: {  	[smem:$0x3FAE] =	sst s10  }
0x38: {  	s10 =	sld [smem:$0x3FAF]  }
0x39: {  	_ = 	snop;
	(pc) =	sbr.ind lr, $3  }
0x3a: {  	_ = 	snop  }
0x3b: {  	_ = 	snop  }
0x3c: {  	p2 =	seq.s32 s10, $0x1;
	s10 =	sld [smem:$0x3FAE]  }
0x3d: {  	_ =	shalt  }
0x3e: {  	_ =	shalt  }
0x3f: {  	_ =	shalt  }
0x40: {  	_ =	shalt  }
0x41: {  	_ =	shalt  }
0x42: {  	_ =	shalt  }
0x43: {  	_ =	shalt  }
0x44: {  	_ =	shalt  }
0x45: {  	_ =	shalt  }
0x46: {  	_ =	shalt  }
0x47: {  	_ =	shalt  }
0x48: {  	_ =	shalt  }
0x49: {  	_ =	shalt  }
0x4a: {  	_ =	shalt  }
0x4b: {  	_ =	shalt  }
0x4c: {  	_ =	shalt  }
0x4d: {  	_ =	shalt  }
0x4e: {  	_ =	shalt  }
0x4f: {  	_ =	shalt  }
0x50: {  	_ =	shalt  }
0x51: {  	_ =	shalt  }
0x52: {  	_ =	shalt  }
0x53: {  	_ =	shalt  }
0x54: {  	_ =	shalt  }
0x55: {  	_ =	shalt  }
0x56: {  	_ =	shalt  }
0x57: {  	_ =	shalt  }
0x58: {  	_ =	shalt  }
0x59: {  	_ =	shalt  }
0x5a: {  	_ =	shalt  }
0x5b: {  	_ =	shalt  }
0x5c: {  	_ =	shalt  }
0x5d: {  	_ =	shalt  }
0x5e: {  	_ =	shalt  }
0x5f: {  	_ =	shalt  }
0x60: {  	_ =	shalt  }
0x61: {  	_ =	shalt  }
0x62: {  	_ =	shalt  }
0x63: {  	_ =	shalt  }
0x64: {  	_ =	shalt  }
0x65: {  	_ =	shalt  }
0x66: {  	_ =	shalt  }
0x67: {  	_ =	shalt  }
0x68: {  	_ =	shalt  }
0x69: {  	_ =	shalt  }
0x6a: {  	_ =	shalt  }
0x6b: {  	_ =	shalt  }
0x6c: {  	_ =	shalt  }
0x6d: {  	_ =	shalt  }
0x6e: {  	_ =	shalt  }
0x6f: {  	_ =	shalt  }
0x70: {  	_ =	shalt  }
0x71: {  	_ =	shalt  }
0x72: {  	_ =	shalt  }
0x73: {  	_ =	shalt  }
0x74: {  	_ =	shalt  }
0x75: {  	_ =	shalt  }
0x76: {  	_ =	shalt  }
0x77: {  	_ =	shalt  }
0x78: {  	_ =	shalt  }
0x79: {  	_ =	shalt  }
0x7a: {  	_ =	shalt  }
0x7b: {  	_ =	shalt  }
0x7c: {  	_ =	shalt  }
0x7d: {  	_ =	shalt  }
0x7e: {  	_ =	shalt  }
0x7f: {  	_ =	shalt  }
0x80: {  	_ =	shalt  }
0x81: {  	_ =	shalt  }
0x82: {  	_ =	shalt  }
0x83: {  	_ =	shalt  }
0x84: {  	_ =	shalt  }
0x85: {  	_ =	shalt  }
0x86: {  	_ =	shalt  }
0x87: {  	_ =	shalt  }
.Lfunc_end0:
.L_simem_size_0:
called_computation_lowered:
.L_overlay_start_0:
0x88: {  	s2 =	sld [smem:$0x3FD9]  }
0x89: {  	s3 =	sld [smem:$0x3FFE];
	_ =	sdelay $0x1  }
0x8a: {  	s1 =	srdreg.scid  }
0x8b: {  	s0 =	sand.u32 $0x1, s1  }
0x8c: {  	s14 =	sshll.u32 s0, $0xA;
	s2 =	sadd.s32 s3, s2  }
0x8d: {  	s2 =	sadd.s32 s2, s14  }
0x8e: {  	[smem:$0x3FBA] =	sst s2  }
0x8f: {  	_ = 	snop  }
0x90: {  	s2 =	sld [smem:$0x3FD0];
	_ =	sdelay $0x2  }
0x91: {  	s15 =	simm.s32 $0xA;
	s4 =	simm.s32 $0x10  }
0x92: {  	[smem:s4], [sflag:s15] =	dma.local [hbm:s2], $0x1  }
0x93: {  	_ =	swait.eq [sflag:s15], $0x1  }
0x94: {  	[sflag:s15] =	ssyncset.done $0x0  }
0x95: {  	[sflag:s15] =	ssyncadd.s32 $0xFFFFFFFF  }
0x96: {  	s16 =	sld [smem:$0x10];
	(tm) =	ssettm $0x1  }
0x97: {  	s17 =	sld [smem:$0x3FFB];
	_ =	sdelay $0x3  }
0x98: {  	_ =	strace s17  }
0x99: {  	s3 =	sld [smem:$0x3FFC];
	_ =	sdelay $0x3  }
0x9a: {  	_ =	strace s3  }
0x9b: {  	s3 =	sld [smem:$0x3FFD];
	_ =	sdelay $0x3  }
0x9c: {  	_ =	strace s3  }
0x9d: {  	_ =	strace $0x8FFFFFFF  }
0x9e: {  	s18 =	sld [smem:$0x3FDB];
	_ =	sdelay $0x1  }
0x9f: {  	s19 =	simm.s32 $_scs_section_size  }
0xa0: {  	s5 =	simm.s32 $_size__tile_overlayer_lowered;
	s6 =	simm.s32 $_tile_overlayer_lowered  }
0xa1: {  	s22 =	simm.s32 $0x1BFF;
	s21 =	sshll.u32 s6, $0x1;
	s3 =	sadd.s32 s19, s18  }
0xa2: {  	s7 =	simm.s32 $0x0;
	s20 =	sshll.u32 s5, $0x1;
	s5 =	sadd.s32 s21, s3  }
0xa3: {  	[timem:s7], [sflag:s22] =	dma.local [hbm:s5], s20  }
0xa4: {  	_ =	swait.ge [sflag:s22], s20  }
0xa5: {  	s4 =	ssub.s32 $0x0, s20;
	[sflag:s22] =	ssyncset.done $0x0  }
0xa6: {  	[sflag:s22] =	ssyncadd.s32 s4;
	_ =	sdelay $0x1  }
0xa7: {  	s23 =	simm.s32 $0x1B8B  }
0xa8: {  	_ =	swait.ge [sflag:s23], $0x1  }
0xa9: {  	[sflag:s23] =	ssyncset.done $0x0  }
0xaa: {  	s25 =	simm.s32 $0x1B8E;
	s24 =	sld [smem:$0x3FFE];
	[sflag:s23] =	ssyncadd.s32 $0xFFFFFFFF  }
0xab: {  	s26 =	simm.s32 $execute0_lowered;
	[smem:$0x3FD2] =	sst s25  }
0xac: {  	s5 =	sshll.u32 s26, $0x1;
	_ =	strace $0x80000046;
	[dreg:$0x1] =	wrdreg $0xFFFFFFFF  }
0xad: {  	s28 =	simm.s32 $_size_execute0_lowered;
	s3 =	sadd.s32 s3, s5;
	[dreg:$0x0] =	wrdreg $0x0  }
0xae: {  	s5 =	sshll.u32 s28, $0x1;
	[dreg:$0x2] =	wrdreg s3  }
0xaf: {  	[dreg:$0x3] =	wrdreg s5  }
0xb0: {  	[dreg:$0x4] =	wrdreg $0xC0  }
0xb1: {  	_ =	task [dreg:s7], $0x5FFFF  }
0xb2: {  	[dreg:$0x1] =	wrdreg $0xFFFFFFFF  }
0xb3: {  	[dreg:$0x0] =	wrdreg $0x60  }
0xb4: {  	[dreg:$0x2] =	wrdreg s24  }
0xb5: {  	[dreg:$0x3] =	wrdreg s16  }
0xb6: {  	[dreg:$0x4] =	wrdreg $0x9  }
0xb7: {  	_ =	task.clear_ibuf [dreg:s7], $0x5FFFF;
	_ =	strace $0x90000046  }
0xb8: {  	s29 =	simm.s32 $0x9;
	_ =	strace $0x80000048  }
0xb9: {  	_ =	swait.ge [sflag:s29], $0x1  }
0xba: {  	[sflag:s29] =	ssyncadd.s32 $0xFFFFFFFF  }
0xbb: {  	_ =	strace $0x90000048  }
0xbc: {  	_ =	sfence  }
0xbd: {  	s30 =	sld [smem:$0x0];
	_ =	sdelay $0x2  }
0xbe: {  	s31 =	sshll.u32 s1, $0xD;
	s1 =	sshrl.u32 s1, $0x2  }
0xbf: {  	s3 =	sand.u32 $0x4000, s31;
	s1 =	sadd.s32 s1, s30  }
0xc0: {  	s0 =	sor.u32 s3, s0;
	s1 =	sshll.u32 s1, $0x11  }
0xc1: {  	s0 =	sor.u32 s1, s0  }
0xc2: {  	s0 =	sadd.s32 $0x8F2B, s0  }
0xc3: {  	[sflag:s0] =	ssyncadd.remote.s32 $0x1  }
0xc4: {  	_ =	sfence.sel $0xFFFF  }
0xc5: {  	[dreg:$0x0] =	wrdreg $0xFFFFFFFF;
	(pc) =	sbr.abs _section_cstart, $3  }
0xc6: {  	[dreg:$0x1] =	wrdreg $0xFFFFFFFF  }
0xc7: {  	_ =	task.clear_ibuf [dreg:s7], $0x2FFFF;
	_ =	strace $0x9FFFFFFF  }
0xc8: {  	(tm) =	ssettm $0x7FFFFFFF  }
0xc9: {  	_ =	shalt  }
tec
execute0_lowered:
.L_overlay_start_1:
0x0: {  	(tag) =	ssettag $0x1  }
0x1: {  	s1 =	srdreg.scid;
	s0 =	stileid.u32  }
0x2: {  	s6 =	sand.u32 $0x1, s1;
	s30 =	sshll.u32 s0, $0x1  }
0x3: {  	s5 =	rddreg [dreg:$0x0];
	s8 =	sor.u32 s6, s30  }
0x4: {  	s9 =	rddreg [dreg:$0x1];
	s2 =	simm.s32 $0x0;
	s3 =	smul.u32 $0x19, s8  }
0x5: {  	[smem:$0x7FF] =	sst s2  }
0x6: {  	s1 =	rddreg [dreg:$0x2];
	_ =	strace $0x80000047;
	s3 =	sadd.s32 s3, s5  }
0x7: {  	s10 =	ssub.s32 $0x2, s6;
	s4 =	sadd.s32 $0x11800, s3;
	s3 =	simm.s32 $0x2  }
0x8: {  	[tilespmem:s2], [sflag:$0x2] =	stream.linear.gather [hbm4b:s4+s2], $0xC8, $0x38;
	[tilespmem:$0x32C8] =	vst v63  }
0x9: {  	s7 =	simm.s32 $0x1;
	s11 =	sshrl.u32 s10, $0x1;
	_ =	swait.ge [sflag:s3], $0xC8  }
0xa: {  	s6 =	simm.s32 $0xC8;
	s10 =	ssub.s32 s10, s11;
	[sflag:s3] =	ssyncset.done $0x0  }
0xb: {  	s5 =	sadd.s32 $0x1800, s5;
	s31 =	smax.u32 s10, $0x1;
	[sflag:s3] =	ssyncadd.s32 $0xFFFFFF38  }
0xc: {  	[tilespmem:s6], [sflag:$0x1] =	stream.indirect.gather [hbm4b:s5+s6], $0x40, s2, s6, $0xb8;
	[tilespmem:$0x32C8] =	vst v63  }
0xd: {  	s8 =	smul.u32 $0x640, s8;
	p0 =	sne.s32 s31, $0x1;
	_ =	swait.ge [sflag:s7], $0x3200  }
.Ltmp0:
0xe: {  	[sflag:s7] =	ssyncset.done $0x0;
	(pc) =	sbr.rel @!p0 .LBB2_2-.Ltmp0, $4  }
0xf: {  	s8 =	sadd.s32 s9, s8;
	[sflag:s7] =	ssyncadd.s32 $0xFFFFCE00  }
0x10: {  	[hbm4b:s8+s2] =	stream.linear.scatter [tilespmem:s6], [sflag:$0x2], $0x3200, $0x38;
	[tilespmem:$0x32C8] =	vst v63  }
0x11: {  	_ =	swait.ge [sflag:s3], $0x3200  }
0x12: {  	s9 =	sadd.s32 $0xFFFFFFFF, s31;
	[sflag:s3] =	ssyncset.done $0x0  }
.LBB2_1:
0x13: {  	p0 =	sne.s32 s9, $0x1;
	s9 =	sadd.s32 $0xFFFFFFFF, s9;
	[sflag:s3] =	ssyncadd.s32 $0xFFFFCE00  }
0x14: {  	[tilespmem:s2], [sflag:$0x2] =	stream.linear.gather [hbm4b:s4+s2], $0xC8, $0x38;
	[tilespmem:$0x32C8] =	vst v63  }
0x15: {  	_ =	swait.ge [sflag:s3], $0xC8  }
0x16: {  	[sflag:s3] =	ssyncset.done $0x0  }
0x17: {  	[sflag:s3] =	ssyncadd.s32 $0xFFFFFF38  }
0x18: {  	[tilespmem:s6], [sflag:$0x1] =	stream.indirect.gather [hbm4b:s5+s6], $0x40, s2, s6, $0xb8;
	[tilespmem:$0x32C8] =	vst v63  }
0x19: {  	_ =	swait.ge [sflag:s7], $0x3200  }
.Ltmp1:
0x1a: {  	[sflag:s7] =	ssyncset.done $0x0;
	(pc) =	sbr.rel @p0 .LBB2_1-.Ltmp1, $4  }
0x1b: {  	[sflag:s7] =	ssyncadd.s32 $0xFFFFCE00  }
0x1c: {  	[hbm4b:s8+s2] =	stream.linear.scatter [tilespmem:s6], [sflag:$0x2], $0x3200, $0x38;
	[tilespmem:$0x32C8] =	vst v63  }
0x1d: {  	_ =	swait.ge [sflag:s3], $0x3200  }
0x1e: {  	[sflag:s3] =	ssyncset.done $0x0  }
.LBB2_2:
0x1f: {  	[sflag:s3] =	ssyncadd.s32 $0xFFFFCE00  }
0x20: {  	_ =	sfence.sel $0x180000  }
0x21: {  	[bflag:$0x0] =	sbarrier.arrive $0xFFFF  }
0x22: {  	p0 =	sne.s32 s0, $0x0;
	_ =	strace $0x90000047  }
0x23: {  	s0 =	sadd.s32 @!p0 $0x100000, s1;
	[bflag:$0x2] =	sbarrier.arrive $0xFFFF  }
0x24: {  	[sflag:s0] =	ssyncadd.tile.s32 @!p0 $0x1;
	_ =	shalt  }
.Lfunc_end2:
_tile_overlayer_lowered:
.L_overlay_start_2:
0x25: {  	(tag) =	ssettag $0x2  }
0x26: {  	s0 =	rddreg [dreg:$0x0];
	s2 =	stileid.u32  }
0x27: {  	s1 =	rddreg [dreg:$0x1];
	p0 =	sne.s32 s2, $0x0  }
0x28: {  	s3 =	rddreg [dreg:$0x2];
	[bflag:$0x3] =	sbarrier.arrive $0xFFFF;
	s2 =	simm.s32 @!p0 $0x1C02  }
0x29: {  	[timem:s3], [sflag:s2] =	dma.local @!p0 [hbm:s0], s1  }
0x2a: {  	s0 =	simm.s32 @!p0 $0x2  }
0x2b: {  	_ =	swait.ge @!p0 [sflag:s0], s1  }
0x2c: {  	s1 =	ssub.s32 @!p0 $0x0, s1;
	[sflag:s0] =	ssyncset.done @!p0 $0x0  }
0x2d: {  	[sflag:s0] =	ssyncadd.s32 @!p0 s1  }
0x2e: {  	[bflag:$0x3] =	sbarrier.arrive $0xFFFF  }
0x2f: {  	_ =	shalt  }

</sc_bundles>
